<compile_context>
chip_gen: v7x
topology: tpu7x:2x2x1
jax: 0.10.2.dev20260603
libtpu: 0.0.44.dev20260713+nightly
codegen_flags: <defaults>
</compile_context>

<pallas_src>
import functools

import jax
import jax.numpy as jnp
from jax import lax
from jax.experimental import pallas as pl
from jax.experimental.pallas import tpu as pltpu
from jax.experimental.pallas import tpu_sc as plsc

_N = 512
_D = 128
_MARGIN = 1.0
_N_PAIRS = _N * (_N - 1) // 2
_NC = 2
_NS = 16
_NW = _NC * _NS
_L = 16


def _sqrt16(x):
    y = plsc.bitcast(x, jnp.int32)
    r = plsc.bitcast(jnp.full((_L,), 0x5F3759DF, jnp.int32) - (y >> 1),
                     jnp.float32)
    half_x = 0.5 * x
    for _ in range(3):
        r = r * (1.5 - half_x * r * r)
    return x * r


def _sc_body(et_hbm, tgt_hbm, out_hbm, et_v, tgt_v, tot_v):
    wid = lax.axis_index("s") * _NC + lax.axis_index("c")
    pltpu.sync_copy(et_hbm, et_v)
    pltpu.sync_copy(tgt_hbm, tgt_v)
    lanes = lax.iota(jnp.int32, _L)

    def i_body(t, total):
        i = wid + t * _NW
        i_splat = jnp.full((_L,), i, dtype=jnp.int32)
        ti = plsc.load_gather(tgt_v, [i_splat])
        jb0 = (i + 1) // _L

        def jb_body(jb, tot):
            j_idx = jb * _L + lanes
            valid = j_idx > i_splat
            tj = plsc.load_gather(tgt_v, [j_idx])

            def d_body(d, acc):
                d_splat = jnp.full((_L,), d, dtype=jnp.int32)
                ei = plsc.load_gather(et_v, [d_splat, i_splat])
                ej = plsc.load_gather(et_v, [d_splat, j_idx])
                diff = ei - ej
                return acc + diff * diff

            dist2 = lax.fori_loop(0, _D, d_body,
                                  jnp.zeros((_L,), jnp.float32))
            s = _sqrt16(dist2)
            hinge = jnp.maximum(_MARGIN - s, 0.0)
            neg = hinge * hinge
            contrib = jnp.where(ti == tj, dist2, neg)
            contrib = jnp.where(valid, contrib, 0.0)
            return tot + contrib

        return lax.fori_loop(jb0, _N // _L, jb_body, total)

    total = lax.fori_loop(0, _N // _NW, i_body, jnp.zeros((_L,), jnp.float32))
    tot_v[...] = total
    pltpu.sync_copy(tot_v, out_hbm.at[wid])


_sc_loss = functools.partial(
    pl.kernel,
    out_type=jax.ShapeDtypeStruct((_NW, _L), jnp.float32),
    scratch_types=[
        pltpu.VMEM((_D, _N), jnp.float32),
        pltpu.VMEM((_N,), jnp.int32),
        pltpu.VMEM((_L,), jnp.float32),
    ],
    mesh=plsc.VectorSubcoreMesh(core_axis_name="c", subcore_axis_name="s"),
    compiler_params=pltpu.CompilerParams(needs_layout_passes=False),
)(_sc_body)


def kernel(embeddings, target):
    out = _sc_loss(embeddings.T, target)
    return jnp.sum(out) * (1.0 / _N_PAIRS)

# --- scband reference (transcript-rebuilt; emitter-appended) ---
"""Pipeline reference for scband-online-contrastive-loss-13477607375231 (READ-ONLY COPY).

The authoritative reference and input builder live on the scoring server;
editing this copy changes nothing except your own understanding.
"""

import jax, jax.numpy as jnp
import numpy as np

N = 512
D = 128
MARGIN = 1.0
NUM_CLASSES = 10


def setup_inputs(seed: int = 0) -> dict:
    key = jax.random.key(seed)
    k1, k2 = jax.random.split(key)
    embeddings = jax.random.normal(k1, (N, D), dtype=jnp.float32)
    target = jax.random.randint(k2, (N,), 0, NUM_CLASSES, dtype=jnp.int32)
    return {"embeddings": embeddings, "target": target}


def reference(embeddings, target):
    # AllPositivePairSelector: all C(N,2) pairs (combinations of indices)
    i0_np, i1_np = np.triu_indices(N, k=1)
    idx0 = jnp.asarray(i0_np, dtype=jnp.int32)
    idx1 = jnp.asarray(i1_np, dtype=jnp.int32)
    n_pairs = idx0.shape[0]

    # gather pair endpoints
    e0 = jnp.take(embeddings, idx0, axis=0)
    e1 = jnp.take(embeddings, idx1, axis=0)
    dist2 = jnp.sum((e0 - e1) ** 2, axis=1)

    pos_mask = jnp.take(target, idx0) == jnp.take(target, idx1)

    positive_loss = dist2
    negative_loss = jax.nn.relu(MARGIN - jnp.sqrt(dist2)) ** 2

    # mean over concat([pos_losses, neg_losses]) == (sum pos + sum neg) / n_pairs
    # since every pair is either positive or negative
    total = jnp.sum(jnp.where(pos_mask, positive_loss, 0.0)) + \
            jnp.sum(jnp.where(pos_mask, 0.0, negative_loss))
    return total / n_pairs

if __name__ == "__main__":
    import jax
    _d = setup_inputs()
    print(jax.jit(kernel)(*tuple(_d.values())))

</pallas_src>

<mosaic_0001>
#map = affine_map<(d0, d1) -> (0, 0)>
#map1 = affine_map<(d0, d1) -> (0)>
module attributes {stable_mosaic.version = 14 : i64} {
  func.func @_sc_body(%arg0: i32, %arg1: i32, %arg2: memref<128x512xf32, #tpu.memory_space<hbm>>, %arg3: memref<512xi32, #tpu.memory_space<hbm>>, %arg4: memref<32x16xf32, #tpu.memory_space<hbm>>, %arg5: memref<128x512xf32, #tpu.memory_space<vmem>>, %arg6: memref<512xi32, #tpu.memory_space<vmem>>, %arg7: memref<16xf32, #tpu.memory_space<vmem>>) attributes {dimension_semantics = [#tpu.dimension_semantics<core_parallel>, #tpu.dimension_semantics<subcore_parallel>], iteration_bounds = array<i64: 2, 16>, scalar_prefetch = 0 : i64, scratch_operands = 3 : i64, tpu.core_type = #tpu.core_type<sc_vector_subcore>, window_params = [{transform_indices = #map}, {transform_indices = #map1}, {transform_indices = #map}]} {
    %mul3A = arith.constant 2 : i32
    %mul3A_0 = arith.muli %arg1, %mul3A : i32
    %add3A = arith.addi %mul3A_0, %arg0 : i32
    "tpu.region"() ({
      %run_scoped3A = tpu.sem_alloc : memref<!tpu.dma_semaphore, #tpu.memory_space<semaphore_mem>>
      tpu.enqueue_dma source(%arg2 : memref<128x512xf32, #tpu.memory_space<hbm>>) target(%arg5 : memref<128x512xf32, #tpu.memory_space<vmem>>) target_semaphore(%run_scoped3A : memref<!tpu.dma_semaphore, #tpu.memory_space<semaphore_mem>>)
      tpu.wait_dma2 semaphore(%run_scoped3A : memref<!tpu.dma_semaphore, #tpu.memory_space<semaphore_mem>>) src(%arg2 : memref<128x512xf32, #tpu.memory_space<hbm>>) dst(%arg5 : memref<128x512xf32, #tpu.memory_space<vmem>>)
      tpu.yield
    }) : () -> ()
    "tpu.region"() ({
      %run_scoped3A = tpu.sem_alloc : memref<!tpu.dma_semaphore, #tpu.memory_space<semaphore_mem>>
      tpu.enqueue_dma source(%arg3 : memref<512xi32, #tpu.memory_space<hbm>>) target(%arg6 : memref<512xi32, #tpu.memory_space<vmem>>) target_semaphore(%run_scoped3A : memref<!tpu.dma_semaphore, #tpu.memory_space<semaphore_mem>>)
      tpu.wait_dma2 semaphore(%run_scoped3A : memref<!tpu.dma_semaphore, #tpu.memory_space<semaphore_mem>>) src(%arg3 : memref<512xi32, #tpu.memory_space<hbm>>) dst(%arg6 : memref<512xi32, #tpu.memory_space<vmem>>)
      tpu.yield
    }) : () -> ()
    %iota3A = tpu.iota {dimensions = array<i32: 0>} : vector<16xi32>
    %broadcast_in_dim3A = arith.constant 0.000000e+00 : f32
    %broadcast_in_dim3A_1 = vector.broadcast %broadcast_in_dim3A : f32 to vector<16xf32>
    %scan3A = arith.constant 0 : i32
    %scan3A_2 = arith.constant 16 : i32
    %scan3A_3 = arith.addi %scan3A, %scan3A_2 : i32
    %scan3A_4 = arith.constant 1 : i32
    %scan3A_5 = scf.for %scan3A_8 = %scan3A to %scan3A_3 step %scan3A_4 iter_args(%scan3A_9 = %broadcast_in_dim3A_1) -> (vector<16xf32>)  : i32 {
      %mul3A_10 = arith.constant 32 : i32
      %mul3A_11 = arith.muli %scan3A_8, %mul3A_10 : i32
      %add3A_12 = arith.addi %add3A, %mul3A_11 : i32
      %broadcast_in_dim3A_13 = vector.broadcast %add3A_12 : i32 to vector<16xi32>
      %gather3A = tpu.vector_load_idx %arg6[%broadcast_in_dim3A_13] : memref<512xi32, #tpu.memory_space<vmem>>[vector<16xi32>], vector<16xi32>,
      %add3A_14 = arith.constant 1 : i32
      %add3A_15 = arith.addi %add3A_12, %add3A_14 : i32
      %jit3A = arith.constant 16 : i32
      %div3A = arith.divsi %add3A_15, %jit3A : i32
      %sign3A = arith.constant 0 : i32
      %sign3A_16 = arith.cmpi sgt, %add3A_15, %sign3A : i32
      %sign3A_17 = arith.extui %sign3A_16 : i1 to i32
      %sign3A_18 = arith.constant 0 : i32
      %sign3A_19 = arith.cmpi slt, %add3A_15, %sign3A_18 : i32
      %sign3A_20 = arith.extui %sign3A_19 : i1 to i32
      %sign3A_21 = arith.subi %sign3A_17, %sign3A_20 : i32
      %sign3A_22 = arith.constant 0 : i32
      %sign3A_23 = arith.cmpi sgt, %jit3A, %sign3A_22 : i32
      %sign3A_24 = arith.extui %sign3A_23 : i1 to i32
      %sign3A_25 = arith.constant 0 : i32
      %sign3A_26 = arith.cmpi slt, %jit3A, %sign3A_25 : i32
      %sign3A_27 = arith.extui %sign3A_26 : i1 to i32
      %sign3A_28 = arith.subi %sign3A_24, %sign3A_27 : i32
      %ne3A = arith.cmpi ne, %sign3A_21, %sign3A_28 : i32
      %rem3A = arith.remsi %add3A_15, %jit3A : i32
      %ne3A_29 = arith.constant 0 : i32
      %ne3A_30 = arith.cmpi ne, %rem3A, %ne3A_29 : i32
      %and3A = arith.andi %ne3A, %ne3A_30 : i1
      %sub3A = arith.constant 1 : i32
      %sub3A_31 = arith.subi %div3A, %sub3A : i32
      %select_n3A = arith.select %and3A, %sub3A_31, %div3A : i32
      %while3A = arith.constant 32 : i32
      %while3A_32 = arith.subi %while3A, %select_n3A : i32
      %while3A_33 = arith.addi %select_n3A, %while3A_32 : i32
      %while3A_34 = arith.constant 1 : i32
      %while3A_35 = arith.divsi %while3A_32, %while3A_34 : i32
      %while3A_36 = arith.muli %while3A_35, %while3A_34 : i32
      %while3A_37 = arith.addi %select_n3A, %while3A_36 : i32
      %while3A_38 = arith.constant 1 : i32
      %while3A_39 = scf.for %while3A_42 = %select_n3A to %while3A_37 step %while3A_38 iter_args(%while3A_43 = %scan3A_9) -> (vector<16xf32>)  : i32 {
        %mul3A_44 = arith.constant 16 : i32
        %mul3A_45 = arith.muli %while3A_42, %mul3A_44 : i32
        %add3A_46 = vector.broadcast %mul3A_45 : i32 to vector<16xi32>
        %add3A_47 = arith.addi %add3A_46, %iota3A : vector<16xi32>
        %gt3A = arith.cmpi sgt, %add3A_47, %broadcast_in_dim3A_13 : vector<16xi32>
        %gather3A_48 = tpu.vector_load_idx %arg6[%add3A_47] : memref<512xi32, #tpu.memory_space<vmem>>[vector<16xi32>], vector<16xi32>,
        %broadcast_in_dim3A_49 = arith.constant 0.000000e+00 : f32
        %broadcast_in_dim3A_50 = vector.broadcast %broadcast_in_dim3A_49 : f32 to vector<16xf32>
        %scan3A_51 = arith.constant 0 : i32
        %scan3A_52 = arith.constant 128 : i32
        %scan3A_53 = arith.addi %scan3A_51, %scan3A_52 : i32
        %scan3A_54 = arith.constant 1 : i32
        %scan3A_55 = scf.for %scan3A_96 = %scan3A_51 to %scan3A_53 step %scan3A_54 iter_args(%scan3A_97 = %broadcast_in_dim3A_50) -> (vector<16xf32>)  : i32 {
          %broadcast_in_dim3A_98 = vector.broadcast %scan3A_96 : i32 to vector<16xi32>
          %gather3A_99 = tpu.vector_load_idx %arg5[%broadcast_in_dim3A_98, %broadcast_in_dim3A_13] : memref<128x512xf32, #tpu.memory_space<vmem>>[vector<16xi32>, vector<16xi32>], vector<16xf32>,
          %gather3A_100 = tpu.vector_load_idx %arg5[%broadcast_in_dim3A_98, %add3A_47] : memref<128x512xf32, #tpu.memory_space<vmem>>[vector<16xi32>, vector<16xi32>], vector<16xf32>,
          %sub3A_101 = arith.subf %gather3A_99, %gather3A_100 : vector<16xf32>
          %mul3A_102 = arith.mulf %sub3A_101, %sub3A_101 : vector<16xf32>
          %add3A_103 = arith.addf %scan3A_97, %mul3A_102 : vector<16xf32>
          scf.yield %add3A_103 : vector<16xf32>
        }
        %scan3A_56 = arith.constant 128 : i32
        %bitcast3A = vector.bitcast %scan3A_55 : vector<16xf32> to vector<16xi32>
        %broadcast_in_dim3A_57 = arith.constant 1597463007 : i32
        %broadcast_in_dim3A_58 = vector.broadcast %broadcast_in_dim3A_57 : i32 to vector<16xi32>
        %shift_right_arithmetic3A = arith.constant 1 : i32
        %shift_right_arithmetic3A_59 = vector.broadcast %shift_right_arithmetic3A : i32 to vector<16xi32>
        %shift_right_arithmetic3A_60 = arith.shrsi %bitcast3A, %shift_right_arithmetic3A_59 : vector<16xi32>
        %sub3A_61 = arith.subi %broadcast_in_dim3A_58, %shift_right_arithmetic3A_60 : vector<16xi32>
        %bitcast3A_62 = vector.bitcast %sub3A_61 : vector<16xi32> to vector<16xf32>
        %mul3A_63 = arith.constant 5.000000e-01 : f32
        %mul3A_64 = vector.broadcast %mul3A_63 : f32 to vector<16xf32>
        %mul3A_65 = arith.mulf %mul3A_64, %scan3A_55 : vector<16xf32>
        %mul3A_66 = arith.mulf %mul3A_65, %bitcast3A_62 : vector<16xf32>
        %mul3A_67 = arith.mulf %mul3A_66, %bitcast3A_62 : vector<16xf32>
        %sub3A_68 = arith.constant 1.500000e+00 : f32
        %sub3A_69 = vector.broadcast %sub3A_68 : f32 to vector<16xf32>
        %sub3A_70 = arith.subf %sub3A_69, %mul3A_67 : vector<16xf32>
        %mul3A_71 = arith.mulf %bitcast3A_62, %sub3A_70 : vector<16xf32>
        %mul3A_72 = arith.mulf %mul3A_65, %mul3A_71 : vector<16xf32>
        %mul3A_73 = arith.mulf %mul3A_72, %mul3A_71 : vector<16xf32>
        %sub3A_74 = arith.constant 1.500000e+00 : f32
        %sub3A_75 = vector.broadcast %sub3A_74 : f32 to vector<16xf32>
        %sub3A_76 = arith.subf %sub3A_75, %mul3A_73 : vector<16xf32>
        %mul3A_77 = arith.mulf %mul3A_71, %sub3A_76 : vector<16xf32>
        %mul3A_78 = arith.mulf %mul3A_65, %mul3A_77 : vector<16xf32>
        %mul3A_79 = arith.mulf %mul3A_78, %mul3A_77 : vector<16xf32>
        %sub3A_80 = arith.constant 1.500000e+00 : f32
        %sub3A_81 = vector.broadcast %sub3A_80 : f32 to vector<16xf32>
        %sub3A_82 = arith.subf %sub3A_81, %mul3A_79 : vector<16xf32>
        %mul3A_83 = arith.mulf %mul3A_77, %sub3A_82 : vector<16xf32>
        %mul3A_84 = arith.mulf %scan3A_55, %mul3A_83 : vector<16xf32>
        %sub3A_85 = arith.constant 1.000000e+00 : f32
        %sub3A_86 = vector.broadcast %sub3A_85 : f32 to vector<16xf32>
        %sub3A_87 = arith.subf %sub3A_86, %mul3A_84 : vector<16xf32>
        %max3A = arith.constant 0.000000e+00 : f32
        %max3A_88 = vector.broadcast %max3A : f32 to vector<16xf32>
        %max3A_89 = arith.maximumf %sub3A_87, %max3A_88 : vector<16xf32>
        %mul3A_90 = arith.mulf %max3A_89, %max3A_89 : vector<16xf32>
        %eq3A = arith.cmpi eq, %gather3A, %gather3A_48 : vector<16xi32>
        %select_n3A_91 = arith.select %eq3A, %scan3A_55, %mul3A_90 : vector<16xi1>, vector<16xf32>
        %jit3A_92 = arith.constant 0.000000e+00 : f32
        %broadcast_in_dim3A_93 = vector.broadcast %jit3A_92 : f32 to vector<16xf32>
        %select_n3A_94 = arith.select %gt3A, %select_n3A_91, %broadcast_in_dim3A_93 : vector<16xi1>, vector<16xf32>
        %add3A_95 = arith.addf %while3A_43, %select_n3A_94 : vector<16xf32>
        scf.yield %add3A_95 : vector<16xf32>
      }
      %while3A_40 = arith.constant 1 : i32
      %while3A_41 = scf.for %while3A_42 = %while3A_37 to %while3A_33 step %while3A_40 iter_args(%while3A_43 = %while3A_39) -> (vector<16xf32>)  : i32 {
        %mul3A_44 = arith.constant 16 : i32
        %mul3A_45 = arith.muli %while3A_42, %mul3A_44 : i32
        %add3A_46 = vector.broadcast %mul3A_45 : i32 to vector<16xi32>
        %add3A_47 = arith.addi %add3A_46, %iota3A : vector<16xi32>
        %gt3A = arith.cmpi sgt, %add3A_47, %broadcast_in_dim3A_13 : vector<16xi32>
        %gather3A_48 = tpu.vector_load_idx %arg6[%add3A_47] : memref<512xi32, #tpu.memory_space<vmem>>[vector<16xi32>], vector<16xi32>,
        %broadcast_in_dim3A_49 = arith.constant 0.000000e+00 : f32
        %broadcast_in_dim3A_50 = vector.broadcast %broadcast_in_dim3A_49 : f32 to vector<16xf32>
        %scan3A_51 = arith.constant 0 : i32
        %scan3A_52 = arith.constant 128 : i32
        %scan3A_53 = arith.addi %scan3A_51, %scan3A_52 : i32
        %scan3A_54 = arith.constant 1 : i32
        %scan3A_55 = scf.for %scan3A_96 = %scan3A_51 to %scan3A_53 step %scan3A_54 iter_args(%scan3A_97 = %broadcast_in_dim3A_50) -> (vector<16xf32>)  : i32 {
          %broadcast_in_dim3A_98 = vector.broadcast %scan3A_96 : i32 to vector<16xi32>
          %gather3A_99 = tpu.vector_load_idx %arg5[%broadcast_in_dim3A_98, %broadcast_in_dim3A_13] : memref<128x512xf32, #tpu.memory_space<vmem>>[vector<16xi32>, vector<16xi32>], vector<16xf32>,
          %gather3A_100 = tpu.vector_load_idx %arg5[%broadcast_in_dim3A_98, %add3A_47] : memref<128x512xf32, #tpu.memory_space<vmem>>[vector<16xi32>, vector<16xi32>], vector<16xf32>,
          %sub3A_101 = arith.subf %gather3A_99, %gather3A_100 : vector<16xf32>
          %mul3A_102 = arith.mulf %sub3A_101, %sub3A_101 : vector<16xf32>
          %add3A_103 = arith.addf %scan3A_97, %mul3A_102 : vector<16xf32>
          scf.yield %add3A_103 : vector<16xf32>
        }
        %scan3A_56 = arith.constant 128 : i32
        %bitcast3A = vector.bitcast %scan3A_55 : vector<16xf32> to vector<16xi32>
        %broadcast_in_dim3A_57 = arith.constant 1597463007 : i32
        %broadcast_in_dim3A_58 = vector.broadcast %broadcast_in_dim3A_57 : i32 to vector<16xi32>
        %shift_right_arithmetic3A = arith.constant 1 : i32
        %shift_right_arithmetic3A_59 = vector.broadcast %shift_right_arithmetic3A : i32 to vector<16xi32>
        %shift_right_arithmetic3A_60 = arith.shrsi %bitcast3A, %shift_right_arithmetic3A_59 : vector<16xi32>
        %sub3A_61 = arith.subi %broadcast_in_dim3A_58, %shift_right_arithmetic3A_60 : vector<16xi32>
        %bitcast3A_62 = vector.bitcast %sub3A_61 : vector<16xi32> to vector<16xf32>
        %mul3A_63 = arith.constant 5.000000e-01 : f32
        %mul3A_64 = vector.broadcast %mul3A_63 : f32 to vector<16xf32>
        %mul3A_65 = arith.mulf %mul3A_64, %scan3A_55 : vector<16xf32>
        %mul3A_66 = arith.mulf %mul3A_65, %bitcast3A_62 : vector<16xf32>
        %mul3A_67 = arith.mulf %mul3A_66, %bitcast3A_62 : vector<16xf32>
        %sub3A_68 = arith.constant 1.500000e+00 : f32
        %sub3A_69 = vector.broadcast %sub3A_68 : f32 to vector<16xf32>
        %sub3A_70 = arith.subf %sub3A_69, %mul3A_67 : vector<16xf32>
        %mul3A_71 = arith.mulf %bitcast3A_62, %sub3A_70 : vector<16xf32>
        %mul3A_72 = arith.mulf %mul3A_65, %mul3A_71 : vector<16xf32>
        %mul3A_73 = arith.mulf %mul3A_72, %mul3A_71 : vector<16xf32>
        %sub3A_74 = arith.constant 1.500000e+00 : f32
        %sub3A_75 = vector.broadcast %sub3A_74 : f32 to vector<16xf32>
        %sub3A_76 = arith.subf %sub3A_75, %mul3A_73 : vector<16xf32>
        %mul3A_77 = arith.mulf %mul3A_71, %sub3A_76 : vector<16xf32>
        %mul3A_78 = arith.mulf %mul3A_65, %mul3A_77 : vector<16xf32>
        %mul3A_79 = arith.mulf %mul3A_78, %mul3A_77 : vector<16xf32>
        %sub3A_80 = arith.constant 1.500000e+00 : f32
        %sub3A_81 = vector.broadcast %sub3A_80 : f32 to vector<16xf32>
        %sub3A_82 = arith.subf %sub3A_81, %mul3A_79 : vector<16xf32>
        %mul3A_83 = arith.mulf %mul3A_77, %sub3A_82 : vector<16xf32>
        %mul3A_84 = arith.mulf %scan3A_55, %mul3A_83 : vector<16xf32>
        %sub3A_85 = arith.constant 1.000000e+00 : f32
        %sub3A_86 = vector.broadcast %sub3A_85 : f32 to vector<16xf32>
        %sub3A_87 = arith.subf %sub3A_86, %mul3A_84 : vector<16xf32>
        %max3A = arith.constant 0.000000e+00 : f32
        %max3A_88 = vector.broadcast %max3A : f32 to vector<16xf32>
        %max3A_89 = arith.maximumf %sub3A_87, %max3A_88 : vector<16xf32>
        %mul3A_90 = arith.mulf %max3A_89, %max3A_89 : vector<16xf32>
        %eq3A = arith.cmpi eq, %gather3A, %gather3A_48 : vector<16xi32>
        %select_n3A_91 = arith.select %eq3A, %scan3A_55, %mul3A_90 : vector<16xi1>, vector<16xf32>
        %jit3A_92 = arith.constant 0.000000e+00 : f32
        %broadcast_in_dim3A_93 = vector.broadcast %jit3A_92 : f32 to vector<16xf32>
        %select_n3A_94 = arith.select %gt3A, %select_n3A_91, %broadcast_in_dim3A_93 : vector<16xi1>, vector<16xf32>
        %add3A_95 = arith.addf %while3A_43, %select_n3A_94 : vector<16xf32>
        scf.yield %add3A_95 : vector<16xf32>
      }
      scf.yield %while3A_41 : vector<16xf32>
    }
    %scan3A_6 = arith.constant 16 : i32
    %swap3A = arith.constant 0 : index
    %swap3A_7 = tpu.vector_load %arg7[%swap3A] {strides = array<i32>} : memref<16xf32, #tpu.memory_space<vmem>>, vector<16xf32>,
    tpu.vector_store %arg7[%swap3A], %scan3A_5 {strides = array<i32>} : memref<16xf32, #tpu.memory_space<vmem>>, vector<16xf32>,
    "tpu.region"() ({
      %run_scoped3A = tpu.sem_alloc : memref<!tpu.dma_semaphore, #tpu.memory_space<semaphore_mem>>
      %dma_start3A = arith.constant 0 : i32
      %dma_start3A_8 = tpu.memref_slice %arg4[%add3A, %dma_start3A] : memref<32x16xf32, #tpu.memory_space<hbm>> -> memref<1x16xf32, #tpu.memory_space<hbm>>
      %dma_start3A_9 = tpu.memref_squeeze %dma_start3A_8 : memref<1x16xf32, #tpu.memory_space<hbm>> -> memref<16xf32, #tpu.memory_space<hbm>>
      %dma_start3A_10 = arith.constant 0 : i32
      %dma_start3A_11 = tpu.memref_slice %arg4[%add3A, %dma_start3A_10] : memref<32x16xf32, #tpu.memory_space<hbm>> -> memref<1x16xf32, #tpu.memory_space<hbm>>
      %dma_start3A_12 = tpu.memref_squeeze %dma_start3A_11 : memref<1x16xf32, #tpu.memory_space<hbm>> -> memref<16xf32, #tpu.memory_space<hbm>>
      tpu.enqueue_dma source(%arg7 : memref<16xf32, #tpu.memory_space<vmem>>) target(%dma_start3A_12 : memref<16xf32, #tpu.memory_space<hbm>>) target_semaphore(%run_scoped3A : memref<!tpu.dma_semaphore, #tpu.memory_space<semaphore_mem>>)
      %dma_wait3A = arith.constant 0 : i32
      %dma_wait3A_13 = tpu.memref_slice %arg4[%add3A, %dma_wait3A] : memref<32x16xf32, #tpu.memory_space<hbm>> -> memref<1x16xf32, #tpu.memory_space<hbm>>
      %dma_wait3A_14 = tpu.memref_squeeze %dma_wait3A_13 : memref<1x16xf32, #tpu.memory_space<hbm>> -> memref<16xf32, #tpu.memory_space<hbm>>
      %dma_wait3A_15 = arith.constant 0 : i32
      %dma_wait3A_16 = tpu.memref_slice %arg4[%add3A, %dma_wait3A_15] : memref<32x16xf32, #tpu.memory_space<hbm>> -> memref<1x16xf32, #tpu.memory_space<hbm>>
      %dma_wait3A_17 = tpu.memref_squeeze %dma_wait3A_16 : memref<1x16xf32, #tpu.memory_space<hbm>> -> memref<16xf32, #tpu.memory_space<hbm>>
      tpu.wait_dma2 semaphore(%run_scoped3A : memref<!tpu.dma_semaphore, #tpu.memory_space<semaphore_mem>>) src(%arg7 : memref<16xf32, #tpu.memory_space<vmem>>) dst(%dma_wait3A_17 : memref<16xf32, #tpu.memory_space<hbm>>)
      tpu.yield
    }) : () -> ()
    return
  }
}

</mosaic_0001>

<sc_bundles>
// kernel: kernel.3.cloned.1.call-start
scs
__scs_entry_jumppad:
0x0: {  	(pc) =	sbr.rel $0x88, $3  }
0x1: {  	(tag) =	ssettag $0x0;
	lr =	simm.s32 $0x1  }
0x2: {  	[smem:$0x3F9F] =	sst lr;
	_ =	strace $0xD0000000  }
0x3: {  	_ = 	snop  }
0x4: {  	_ = 	snop  }
0x5: {  	_ = 	snop  }
0x6: {  	_ = 	snop  }
0x7: {  	_ = 	snop  }
__scs_overlays_trampoline_lowered:
0x8: {  	[smem:$0x3FAE] =	sst s0  }
0x9: {  	[smem:$0x3FAF] =	sst s1  }
0xa: {  	[smem:$0x3FB0] =	sst s2  }
0xb: {  	[smem:$0x3FB1] =	sst s3  }
0xc: {  	[smem:$0x3FB2] =	sst s4  }
0xd: {  	[smem:$0x3FB3] =	sst s5  }
0xe: {  	[smem:$0x3FB4] =	sst s6  }
0xf: {  	[smem:$0x3FB5] =	sst s7  }
0x10: {  	[smem:$0x3FB6] =	sst s8  }
0x11: {  	[smem:$0x3FB7] =	sst s9;
	s0 =	simm.s32 @!p0 $0x0  }
0x12: {  	s1 =	sld [smem:$0x3F9D];
	s0 =	simm.s32 @p0 $0x1  }
0x13: {  	[smem:$0x3FB8] =	sst s0;
	s0 =	simm.s32 @!p1 $0x0  }
0x14: {  	s2 =	sld [smem:$0x3F9C];
	s0 =	simm.s32 @p1 $0x1  }
0x15: {  	[smem:$0x3FB9] =	sst s0;
	s0 =	simm.s32 @!p2 $0x0  }
0x16: {  	s3 =	sld [smem:$0x3FDB];
	s0 =	simm.s32 @p2 $0x1  }
0x17: {  	s4 =	simm.s32 $0x1BF5;
	[smem:$0x3FBB] =	sst s0  }
0x18: {  	s0 =	sld [smem:$0x3F9E];
	_ =	swait.ge [sflag:s4], $0x0  }
0x19: {  	s7 =	sld [smem:$0x3F9F]  }
0x1a: {  	s8 =	sadd.s32 $0xFFFFE003, lr  }
0x1b: {  	s9 =	sadd.s32 $0xFFFFFEF7, lr;
	s5 =	simm.s32 $0xFFFFFFFF;
	p2 =	slt.u32 s8, $0xFFFFF086  }
0x1c: {  	p1 =	slt.u32 s9, $0xF7A;
	s5 =	simm.s32 @!p2 $0x0  }
0x1d: {  	s5 =	simm.s32 @p1 $0x1;
	p0 =	seq.s32 s7, s2  }
0x1e: {  	s7 =	smul.u32 @!p0 $0xF7A, s2;
	p2 =	seq.s32 @!p0 s5, $0x0  }
0x1f: {  	s9 =	smul.u32 $0xF7A, s1;
	s8 =	simm.s32 @!p0 $0x1BF5;
	p2 =	por !p2, p0  }
0x20: {  	[sflag:s8] =	ssyncset.s32 @!p0 $0xFFFFF086;
	s6 =	sadd.s32 @!p0 s3, s7;
	s7 =	simm.s32 @!p0 $0x108  }
0x21: {  	s3 =	sadd.s32 s3, s9;
	s6 =	sadd.s32 @!p0 $0x88, s6;
	s7 =	simm.s32 @p2 $0x1082  }
0x22: {  	[simem:s7], [sflag:s8] =	dma.local @!p0 [hbm:s6], $0xF7A  }
0x23: {  	s9 =	sor.u32 $0xD0000000, s2;
	s6 =	simm.s32 $0x108;
	_ =	swait.ge @!p0 [sflag:s8], $0x0  }
0x24: {  	s3 =	sadd.s32 $0x88, s3;
	s6 =	simm.s32 @!p1 $0x1082;
	[sflag:s4] =	ssyncset.s32 $0xFFFFF086  }
0x25: {  	[simem:s6], [sflag:s4] =	dma.local [hbm:s3], $0xF7A  }
0x26: {  	[smem:$0x3F9F] =	sst s1;
	(tag) =	ssettag s2;
	_ =	strace s9  }
0x27: {  	s1 =	sld [smem:$0x3FAF]  }
0x28: {  	s2 =	sld [smem:$0x3FB0]  }
0x29: {  	s4 =	sld [smem:$0x3FB2]  }
0x2a: {  	p0 =	seq.s32 s5, $0x0;
	s5 =	sld [smem:$0x3FB3]  }
0x2b: {  	s6 =	sld [smem:$0x3FB4]  }
0x2c: {  	s7 =	sld [smem:$0x3FB5]  }
0x2d: {  	s3 =	simm.s32 $0x108;
	s8 =	sld [smem:$0x3FB6]  }
0x2e: {  	s3 =	simm.s32 @!p0 $0x1082;
	s9 =	sld [smem:$0x3FB7]  }
0x2f: {  	lr =	sadd.s32 s0, s3;
	s0 =	sld [smem:$0x3FAE]  }
0x30: {  	s3 =	sld [smem:$0x3FB1]  }
0x31: {  	[smem:$0x3FBA] =	sst s10  }
0x32: {  	s10 =	sld [smem:$0x3FB8];
	_ =	sdelay $0x3  }
0x33: {  	p0 =	seq.s32 s10, $0x1;
	s10 =	sld [smem:$0x3FBA];
	_ =	sdelay $0x3  }
0x34: {  	[smem:$0x3FBA] =	sst s10  }
0x35: {  	s10 =	sld [smem:$0x3FB9];
	_ =	sdelay $0x3  }
0x36: {  	p1 =	seq.s32 s10, $0x1;
	s10 =	sld [smem:$0x3FBA];
	_ =	sdelay $0x3  }
0x37: {  	[smem:$0x3FBA] =	sst s10  }
0x38: {  	s10 =	sld [smem:$0x3FBB]  }
0x39: {  	_ = 	snop;
	(pc) =	sbr.ind lr, $3  }
0x3a: {  	_ = 	snop  }
0x3b: {  	_ = 	snop  }
0x3c: {  	p2 =	seq.s32 s10, $0x1;
	s10 =	sld [smem:$0x3FBA]  }
0x3d: {  	_ =	shalt  }
0x3e: {  	_ =	shalt  }
0x3f: {  	_ =	shalt  }
0x40: {  	_ =	shalt  }
0x41: {  	_ =	shalt  }
0x42: {  	_ =	shalt  }
0x43: {  	_ =	shalt  }
0x44: {  	_ =	shalt  }
0x45: {  	_ =	shalt  }
0x46: {  	_ =	shalt  }
0x47: {  	_ =	shalt  }
0x48: {  	_ =	shalt  }
0x49: {  	_ =	shalt  }
0x4a: {  	_ =	shalt  }
0x4b: {  	_ =	shalt  }
0x4c: {  	_ =	shalt  }
0x4d: {  	_ =	shalt  }
0x4e: {  	_ =	shalt  }
0x4f: {  	_ =	shalt  }
0x50: {  	_ =	shalt  }
0x51: {  	_ =	shalt  }
0x52: {  	_ =	shalt  }
0x53: {  	_ =	shalt  }
0x54: {  	_ =	shalt  }
0x55: {  	_ =	shalt  }
0x56: {  	_ =	shalt  }
0x57: {  	_ =	shalt  }
0x58: {  	_ =	shalt  }
0x59: {  	_ =	shalt  }
0x5a: {  	_ =	shalt  }
0x5b: {  	_ =	shalt  }
0x5c: {  	_ =	shalt  }
0x5d: {  	_ =	shalt  }
0x5e: {  	_ =	shalt  }
0x5f: {  	_ =	shalt  }
0x60: {  	_ =	shalt  }
0x61: {  	_ =	shalt  }
0x62: {  	_ =	shalt  }
0x63: {  	_ =	shalt  }
0x64: {  	_ =	shalt  }
0x65: {  	_ =	shalt  }
0x66: {  	_ =	shalt  }
0x67: {  	_ =	shalt  }
0x68: {  	_ =	shalt  }
0x69: {  	_ =	shalt  }
0x6a: {  	_ =	shalt  }
0x6b: {  	_ =	shalt  }
0x6c: {  	_ =	shalt  }
0x6d: {  	_ =	shalt  }
0x6e: {  	_ =	shalt  }
0x6f: {  	_ =	shalt  }
0x70: {  	_ =	shalt  }
0x71: {  	_ =	shalt  }
0x72: {  	_ =	shalt  }
0x73: {  	_ =	shalt  }
0x74: {  	_ =	shalt  }
0x75: {  	_ =	shalt  }
0x76: {  	_ =	shalt  }
0x77: {  	_ =	shalt  }
0x78: {  	_ =	shalt  }
0x79: {  	_ =	shalt  }
0x7a: {  	_ =	shalt  }
0x7b: {  	_ =	shalt  }
0x7c: {  	_ =	shalt  }
0x7d: {  	_ =	shalt  }
0x7e: {  	_ =	shalt  }
0x7f: {  	_ =	shalt  }
0x80: {  	_ =	shalt  }
0x81: {  	_ =	shalt  }
0x82: {  	_ =	shalt  }
0x83: {  	_ =	shalt  }
0x84: {  	_ =	shalt  }
0x85: {  	_ =	shalt  }
0x86: {  	_ =	shalt  }
0x87: {  	_ =	shalt  }
.Lfunc_end0:
.L_simem_size_0:
called_computation_lowered:
.L_overlay_start_0:
0x88: {  	s2 =	sld [smem:$0x3FD9]  }
0x89: {  	s3 =	sld [smem:$0x3FFE];
	_ =	sdelay $0x1  }
0x8a: {  	s1 =	srdreg.scid  }
0x8b: {  	s0 =	sand.u32 $0x1, s1  }
0x8c: {  	s17 =	sshll.u32 s0, $0xA;
	s2 =	sadd.s32 s3, s2  }
0x8d: {  	s2 =	sadd.s32 s2, s17  }
0x8e: {  	[smem:$0x3FC6] =	sst s2  }
0x8f: {  	_ = 	snop  }
0x90: {  	s2 =	sld [smem:$0x3FC8];
	(tm) =	ssettm $0x1  }
0x91: {  	s18 =	sld [smem:$0x3FFB];
	_ =	sdelay $0x3  }
0x92: {  	_ =	strace s18  }
0x93: {  	s3 =	sld [smem:$0x3FFC];
	_ =	sdelay $0x3  }
0x94: {  	_ =	strace s3  }
0x95: {  	s3 =	sld [smem:$0x3FFD];
	_ =	sdelay $0x3  }
0x96: {  	_ =	strace s3  }
0x97: {  	_ =	strace $0x8FFFFFFF  }
0x98: {  	s19 =	sld [smem:$0x3FDB];
	_ =	sdelay $0x1  }
0x99: {  	s4 =	simm.s32 $_scs_section_size  }
0x9a: {  	s5 =	simm.s32 $_size__tile_overlayer_lowered;
	s6 =	simm.s32 $_tile_overlayer_lowered  }
0x9b: {  	s22 =	simm.s32 $0x1BFF;
	s21 =	sshll.u32 s6, $0x1;
	s3 =	sadd.s32 s4, s19  }
0x9c: {  	s7 =	simm.s32 $0x0;
	s20 =	sshll.u32 s5, $0x1;
	s5 =	sadd.s32 s21, s3  }
0x9d: {  	[timem:s7], [sflag:s22] =	dma.local [hbm:s5], s20  }
0x9e: {  	_ =	swait.ge [sflag:s22], s20  }
0x9f: {  	s4 =	ssub.s32 $0x0, s20;
	[sflag:s22] =	ssyncset.done $0x0  }
0xa0: {  	[sflag:s22] =	ssyncadd.s32 s4;
	_ =	sdelay $0x1  }
0xa1: {  	s23 =	simm.s32 $0x1B8B  }
0xa2: {  	_ =	swait.ge [sflag:s23], $0x1  }
0xa3: {  	[sflag:s23] =	ssyncset.done $0x0  }
0xa4: {  	s25 =	simm.s32 $0x1B8E;
	s24 =	sld [smem:$0x3FFE];
	[sflag:s23] =	ssyncadd.s32 $0xFFFFFFFF  }
0xa5: {  	s26 =	simm.s32 $execute0_lowered;
	[smem:$0x3FD2] =	sst s25  }
0xa6: {  	s5 =	sshll.u32 s26, $0x1;
	_ =	strace $0x80000046;
	[dreg:$0x1] =	wrdreg $0xFFFFFFFF  }
0xa7: {  	s28 =	simm.s32 $_size_execute0_lowered;
	s3 =	sadd.s32 s3, s5;
	[dreg:$0x0] =	wrdreg $0x0  }
0xa8: {  	s5 =	sshll.u32 s28, $0x1;
	[dreg:$0x2] =	wrdreg s3  }
0xa9: {  	[dreg:$0x3] =	wrdreg s5  }
0xaa: {  	[dreg:$0x4] =	wrdreg $0xC0  }
0xab: {  	_ =	task [dreg:s7], $0x5FFFF  }
0xac: {  	[dreg:$0x1] =	wrdreg $0xFFFFFFFF  }
0xad: {  	[dreg:$0x0] =	wrdreg $0x60  }
0xae: {  	[dreg:$0x2] =	wrdreg s24  }
0xaf: {  	[dreg:$0x3] =	wrdreg s2  }
0xb0: {  	[dreg:$0x4] =	wrdreg $0x9  }
0xb1: {  	_ =	task.clear_ibuf [dreg:s7], $0x5FFFF;
	_ =	strace $0x90000046  }
0xb2: {  	s29 =	simm.s32 $0x9;
	_ =	strace $0x80000048  }
0xb3: {  	_ =	swait.ge [sflag:s29], $0x1  }
0xb4: {  	[sflag:s29] =	ssyncadd.s32 $0xFFFFFFFF  }
0xb5: {  	_ =	strace $0x90000048  }
0xb6: {  	_ =	sfence  }
0xb7: {  	s30 =	sld [smem:$0x0];
	_ =	sdelay $0x2  }
0xb8: {  	s31 =	sshll.u32 s1, $0xD;
	s1 =	sshrl.u32 s1, $0x2  }
0xb9: {  	s3 =	sand.u32 $0x4000, s31;
	s1 =	sadd.s32 s1, s30  }
0xba: {  	s0 =	sor.u32 s3, s0;
	s1 =	sshll.u32 s1, $0x11  }
0xbb: {  	s0 =	sor.u32 s1, s0  }
0xbc: {  	s0 =	sadd.s32 $0x8F2B, s0  }
0xbd: {  	[sflag:s0] =	ssyncadd.remote.s32 $0x1  }
0xbe: {  	_ =	sfence.sel $0xFFFF  }
0xbf: {  	[dreg:$0x0] =	wrdreg $0xFFFFFFFF;
	(pc) =	sbr.abs _section_cstart, $3  }
0xc0: {  	[dreg:$0x1] =	wrdreg $0xFFFFFFFF  }
0xc1: {  	_ =	task.clear_ibuf [dreg:s7], $0x2FFFF;
	_ =	strace $0x9FFFFFFF  }
0xc2: {  	(tm) =	ssettm $0x7FFFFFFF  }
0xc3: {  	_ =	shalt  }
tec
execute0_lowered:
.L_overlay_start_1:
0x0: {  	(tag) =	ssettag $0x1  }
0x1: {  	s2 =	rddreg [dreg:$0x0]  }
0x2: {  	s3 =	rddreg [dreg:$0x1];
	s4 =	srdreg.scid  }
0x3: {  	s1 =	stileid.u32;
	s0 =	rddreg [dreg:$0x2];
	s9 =	simm.s32 $0x10000  }
0x4: {  	s10 =	simm.s32 $0x10200;
	s11 =	simm.s32 $0x0;
	s15 =	simm.s32 $0x0  }
.Ltmp0:
0x5: {  	s6 =	sand.u32 $0x1, s4;
	s5 =	sshll.u32 s1, $0x1;
	(pc) =	sbr.rel .LBB2_1-.Ltmp0, $4  }
0x6: {  	s4 =	simm.s32 $0x0;
	s5 =	sor.u32 s6, s5;
	s6 =	ssub.s32 $0x2, s6  }
0x7: {  	[smem:$0x7FF] =	sst s4;
	s7 =	sshll.u32 s5, $0x4;
	s8 =	sshrl.u32 s6, $0x1  }
0x8: {  	_ =	strace $0x80000047;
	s7 =	sadd.s32 s7, s2;
	s8 =	ssub.s32 s6, s8  }
0x9: {  	v0 =	vlaneseq.u32;
	s6 =	sadd.s32 $0x2000, s7;
	s7 =	smax.u32 s8, $0x1;
	s8 =	simm.s32 $0x1  }
.LBB2_8:
0xa: {  	s11 =	sadd.s32 $0x1, s11  }
0xb: {  	p0 =	sne.s32 s11, s7  }
.Ltmp1:
0xc: {  	[tilespmem:$0x10200] =	vst v1;
	(pc) =	sbr.rel @!p0 .LBB2_9-.Ltmp1, $4  }
0xd: {  	[hbm4b:s6+s4] =	stream.linear.scatter [tilespmem:s10], [sflag:$0x1], $0x80, $0x38;
	[tilespmem:$0x10280] =	vst v63  }
0xe: {  	_ =	swait.ge [sflag:s8], $0x80  }
0xf: {  	[sflag:s8] =	ssyncset.done $0x0  }
0x10: {  	[sflag:s8] =	ssyncadd.s32 $0xFFFFFF80  }
.LBB2_1:
0x11: {  	[tilespmem:s4], [sflag:$0x1] =	stream.linear.gather [hbm4b:s2+s4], $0x10000, $0x38;
	[tilespmem:$0x10280] =	vst v63  }
0x12: {  	_ =	swait.ge [sflag:s8], $0x10000  }
0x13: {  	[sflag:s8] =	ssyncset.done $0x0  }
.Ltmp2:
0x14: {  	[sflag:s8] =	ssyncadd.s32 $0xFFFF0000;
	(pc) =	sbr.rel .LBB2_2-.Ltmp2, $4  }
0x15: {  	[tilespmem:s9], [sflag:$0x1] =	stream.linear.gather [hbm4b:s3+s4], $0x200, $0x38;
	[tilespmem:$0x10280] =	vst v63  }
0x16: {  	_ =	swait.ge [sflag:s8], $0x200  }
0x17: {  	[sflag:s8] =	ssyncset.done $0x0  }
0x18: {  	v1 =	vimm.f32 $0.0e+00;
	s12 =	simm.s32 $0x0;
	[sflag:s8] =	ssyncadd.s32 $0xFFFFFE00  }
.LBB2_7:
0x19: {  	s12 =	sadd.s32 $0x1, s12  }
0x1a: {  	p0 =	sne.s32 s12, $0x10  }
.Ltmp3:
0x1b: {  	_ = 	snop;
	(pc) =	sbr.rel @!p0 .LBB2_8-.Ltmp3, $1  }
0x1c: {  	_ =	sdelay $0x3  }
.LBB2_2:
0x1d: {  	s13 =	sshll.u32 s12, $0x5  }
0x1e: {  	s13 =	sor.u32 s5, s13  }
0x1f: {  	p0 =	sgt.u32 s13, $0x1FE  }
.Ltmp4:
0x20: {  	_ = 	snop;
	(pc) =	sbr.rel @p0 .LBB2_7-.Ltmp4, $1  }
0x21: {  	_ =	sdelay $0x3  }
0x22: {  	v2 =	vmov s13;
	_ =	sdelay $0x2  }
0x23: {  	v3 =	vshll.u32 v2, $0x3  }
0x24: {  	s31 =	sadd.s32 $0x1, s13;
	v4 =	vand.u32 $0x7F, v2;
	v5 =	vand.u32 $0xC00, v3  }
0x25: {  	s13 =	sshrl.u32 s31, $0x4;
	v4 =	vor.u32 v4, v5;
	v3 =	vld.idx.msk [tilespmem:v2+s9+$0x0], $0xffff  }
.LBB2_4:
0x26: {  	s14 =	sshll.u32 s13, $0x4  }
0x27: {  	v7 =	vmov s15;
	v6 =	vmov s14;
	v5 =	vor.u32 s14, v0  }
0x28: {  	v9 =	vshll.u32 v7, $0x9;
	v10 =	vshll.u32 v7, $0x7;
	v6 =	vshll.u32 v6, $0x3  }
0x29: {  	v8 =	vand.u32 $0x7F, v5;
	v9 =	vand.u32 $0xF000, v9;
	v6 =	vand.u32 $0xC00, v6  }
0x2a: {  	v7 =	vor.u32 v8, v6;
	v6 =	vand.u32 $0x380, v10;
	v8 =	vor.u32 v4, v9  }
0x2b: {  	v8 =	vor.u32 v6, v8;
	v9 =	vor.u32 v9, v7  }
0x2c: {  	s30 =	simm.s32 $0x1;
	v6 =	vor.u32 v6, v9  }
0x2d: {  	v9 =	vmov s30  }
0x2e: {  	v10 =	vshll.u32 v9, $0x9  }
0x2f: {  	v9 =	vshll.u32 v9, $0x7;
	v10 =	vand.u32 $0xF000, v10  }
0x30: {  	v9 =	vand.u32 $0x380, v9;
	v11 =	vor.u32 v4, v10;
	v12 =	vld.idx.msk [tilespmem:v8+s4+$0x0], $0xffff  }
0x31: {  	s31 =	simm.s32 $0x2;
	v11 =	vor.u32 v9, v11;
	v8 =	vor.u32 v10, v7;
	v13 =	vld.idx.msk [tilespmem:v6+s4+$0x0], $0xffff  }
0x32: {  	v10 =	vor.u32 v9, v8;
	v9 =	vmov s31  }
0x33: {  	v14 =	vshll.u32 v9, $0x9  }
0x34: {  	v9 =	vshll.u32 v9, $0x7;
	v14 =	vand.u32 $0xF000, v14  }
0x35: {  	v6 =	vld.idx.msk [tilespmem:v5+s9+$0x0], $0xffff;
	v15 =	vand.u32 $0x380, v9;
	v16 =	vor.u32 v4, v14  }
0x36: {  	v14 =	vor.u32 v14, v7;
	v9 =	vld.idx.msk [tilespmem:v11+s4+$0x0], $0xffff;
	v11 =	vor.u32 v15, v16;
	v13 =	vsub.f32 v12, v13  }
0x37: {  	s14 =	simm.s32 $0x3;
	v8 =	vimm.f32 $0.0e+00;
	v10 =	vld.idx.msk [tilespmem:v10+s4+$0x0], $0xffff;
	v12 =	vor.u32 v15, v14  }
.LBB2_5:
0x38: {  	v14 =	vmov s14;
	v13 =	vmul.f32 v13, v13;
	p0 =	sne.s32 s14, $0x7F  }
.Ltmp5:
0x39: {  	s14 =	sadd.s32 $0x1, s14;
	v15 =	vshll.u32 v14, $0x9;
	(pc) =	sbr.rel @p0 .LBB2_5-.Ltmp5, $4  }
0x3a: {  	v14 =	vshll.u32 v14, $0x7;
	v15 =	vand.u32 $0xF000, v15;
	v8 =	vadd.f32 v13, v8  }
0x3b: {  	v14 =	vand.u32 $0x380, v14;
	v16 =	vmov v9;
	v13 =	vor.u32 v4, v15;
	v9 =	vld.idx.msk [tilespmem:v11+s4+$0x0], $0xffff  }
0x3c: {  	v15 =	vor.u32 v15, v7;
	v11 =	vor.u32 v14, v13;
	v13 =	vsub.f32 v16, v10;
	v10 =	vld.idx.msk [tilespmem:v12+s4+$0x0], $0xffff  }
0x3d: {  	v12 =	vor.u32 v14, v15  }
0x3e: {  	_ =	sdelay $0x3  }
0x3f: {  	v7 =	vld.idx.msk [tilespmem:v11+s4+$0x0], $0xffff  }
0x40: {  	v60 =	vld.idx.msk [tilespmem:v12+s4+$0x0], $0xffff;
	_ =	sdelay $0x2  }
0x41: {  	v61 =	vmul.f32 v13, v13;
	v9 =	vsub.f32 v9, v10;
	_ =	sdelay $0x1  }
0x42: {  	v8 =	vadd.f32 v61, v8;
	v9 =	vmul.f32 v9, v9;
	v7 =	vsub.f32 v7, v60;
	_ =	sdelay $0x1  }
0x43: {  	v8 =	vadd.f32 v9, v8;
	v7 =	vmul.f32 v7, v7;
	_ =	sdelay $0x1  }
0x44: {  	v7 =	vadd.f32 v7, v8;
	_ =	sdelay $0x1  }
0x45: {  	v8 =	vshra.s32 v7, $0x1;
	v62 =	vmul.f32 $5.000000000e-01, v7  }
0x46: {  	v8 =	vsub.s32 $0x5F3759DF, v8  }
0x47: {  	v63 =	vmul.f32 v8, v62;
	_ =	sdelay $0x1  }
0x48: {  	v10 =	vmul.f32 v8, v63;
	_ =	sdelay $0x1  }
0x49: {  	v10 =	vsub.f32 $1.500000000e+00, v10;
	_ =	sdelay $0x1  }
0x4a: {  	v8 =	vmul.f32 v8, v10;
	_ =	sdelay $0x1  }
0x4b: {  	v10 =	vmul.f32 v8, v62;
	_ =	sdelay $0x1  }
0x4c: {  	v10 =	vmul.f32 v10, v8;
	_ =	sdelay $0x1  }
0x4d: {  	v10 =	vsub.f32 $1.500000000e+00, v10;
	_ =	sdelay $0x1  }
0x4e: {  	v8 =	vmul.f32 v10, v8;
	_ =	sdelay $0x1  }
0x4f: {  	v9 =	vmul.f32 v8, v62;
	_ =	sdelay $0x1  }
0x50: {  	v9 =	vmul.f32 v9, v8;
	_ =	sdelay $0x1  }
0x51: {  	v9 =	vsub.f32 $1.500000000e+00, v9;
	_ =	sdelay $0x1  }
0x52: {  	v8 =	vmul.f32 v9, v8;
	_ =	sdelay $0x1  }
0x53: {  	v8 =	vmul.f32 v8, v7;
	_ =	sdelay $0x1  }
0x54: {  	v8 =	vsub.f32 $1.000000000e+00, v8;
	_ =	sdelay $0x1  }
0x55: {  	p0 =	slt.u32 s13, $0x1F;
	v8 =	vmax.f32 v8, $0.0e+00  }
.Ltmp6:
0x56: {  	v8 =	vmul.f32 v8, v8;
	(pc) =	sbr.rel @p0 .LBB2_4-.Ltmp6, $4  }
.Ltmp7:
0x57: {  	vm0 =	veq.s32 v3, v6;
	(pc) =	sbr.rel @!p0 .LBB2_7-.Ltmp7, $4  }
0x58: {  	vm1 =	vgt.u32 v5, v2;
	v5 =	vsel vm0, v7, v8  }
0x59: {  	s14 =	sadd.s32 $0x1, s13;
	v5 =	vnsel vm1, $0x0, v5  }
0x5a: {  	s13 =	smov.u32 s14;
	v1 =	vadd.f32 v5, v1  }
0x5b: {  	_ = 	snop  }
.LBB2_9:
0x5c: {  	_ =	sfence.sel $0x180000  }
0x5d: {  	[bflag:$0x0] =	sbarrier.arrive $0xFFFF  }
0x5e: {  	p0 =	sne.s32 s1, $0x0;
	_ =	strace $0x90000047  }
0x5f: {  	s0 =	sadd.s32 @!p0 $0x100000, s0;
	[bflag:$0x2] =	sbarrier.arrive $0xFFFF  }
0x60: {  	[sflag:s0] =	ssyncadd.tile.s32 @!p0 $0x1;
	_ =	shalt  }
.Lfunc_end2:
_tile_overlayer_lowered:
.L_overlay_start_2:
0x61: {  	(tag) =	ssettag $0x2  }
0x62: {  	s0 =	rddreg [dreg:$0x0];
	s2 =	stileid.u32  }
0x63: {  	s1 =	rddreg [dreg:$0x1];
	p0 =	sne.s32 s2, $0x0  }
0x64: {  	s3 =	rddreg [dreg:$0x2];
	[bflag:$0x3] =	sbarrier.arrive $0xFFFF;
	s2 =	simm.s32 @!p0 $0x1C01  }
0x65: {  	[timem:s3], [sflag:s2] =	dma.local @!p0 [hbm:s0], s1  }
0x66: {  	s0 =	simm.s32 @!p0 $0x1  }
0x67: {  	_ =	swait.ge @!p0 [sflag:s0], s1  }
0x68: {  	s1 =	ssub.s32 @!p0 $0x0, s1;
	[sflag:s0] =	ssyncset.done @!p0 $0x0  }
0x69: {  	[sflag:s0] =	ssyncadd.s32 @!p0 s1  }
0x6a: {  	[bflag:$0x3] =	sbarrier.arrive $0xFFFF  }
0x6b: {  	_ =	shalt  }

</sc_bundles>
